<compile_context>
chip_gen: v7x
topology: tpu7x:2x2x1
jax: 0.10.2.dev20260603
libtpu: 0.0.44.dev20260713+nightly
codegen_flags: <defaults>
</compile_context>

<pallas_src>
import functools

import jax
import jax.numpy as jnp
from jax import lax
from jax.experimental import pallas as pl
from jax.experimental.pallas import tpu as pltpu
from jax.experimental.pallas import tpu_sc as plsc

_TOKENS = 16384
_DIM = 2048
_E = 64
_NC = 2
_NS = 16
_NW = _NC * _NS
_CHUNK = _TOKENS // _NW
_BT = _CHUNK
_LANES = 16


def _tc_body(x_ref, w_ref, out_ref):
    logits = lax.dot_general(
        w_ref[...], x_ref[...],
        dimension_numbers=(((1,), (1,)), ((), ())),
        preferred_element_type=jnp.float32)
    m = jnp.max(logits, axis=0, keepdims=True)
    ex = jnp.exp(logits - m)
    out_ref[0] = ex / jnp.sum(ex, axis=0, keepdims=True)


def _tc_probs_t(x, W):
    return pl.pallas_call(
        _tc_body,
        grid=(_TOKENS // _BT,),
        in_specs=[
            pl.BlockSpec((_BT, _DIM), lambda i: (i, 0)),
            pl.BlockSpec((_E, _DIM), lambda i: (0, 0)),
        ],
        out_specs=pl.BlockSpec((1, _E, _CHUNK), lambda i: (i, 0, 0)),
        out_shape=jax.ShapeDtypeStruct((_NW, _E, _CHUNK), jnp.float32),
    )(x, W)


def _sc_top2(probs_t3):
    mesh = plsc.VectorSubcoreMesh(core_axis_name="c", subcore_axis_name="s")

    @functools.partial(
        pl.kernel, mesh=mesh,
        out_type=[
            jax.ShapeDtypeStruct((_TOKENS,), jnp.float32),
            jax.ShapeDtypeStruct((_TOKENS,), jnp.float32),
            jax.ShapeDtypeStruct((_TOKENS,), jnp.int32),
            jax.ShapeDtypeStruct((_TOKENS,), jnp.int32),
        ],
        scratch_types=[
            pltpu.VMEM((_E, _CHUNK), jnp.float32),
            pltpu.VMEM((_CHUNK,), jnp.float32),
            pltpu.VMEM((_CHUNK,), jnp.float32),
            pltpu.VMEM((_CHUNK,), jnp.int32),
            pltpu.VMEM((_CHUNK,), jnp.int32),
        ],
    )
    def k(probs_hbm, g1_hbm, g2_hbm, i1_hbm, i2_hbm,
          tile_v, g1_v, g2_v, i1_v, i2_v):
        wid = lax.axis_index("s") * _NC + lax.axis_index("c")
        pltpu.sync_copy(probs_hbm.at[wid], tile_v)

        def token_block(v, _):
            off = v * _LANES
            neg = jnp.full((_LANES,), -jnp.inf, jnp.float32)
            iz = jnp.zeros((_LANES,), jnp.int32)

            def expert_step(e, carry):
                m1, i1, m2, i2 = carry
                val = tile_v[e, pl.ds(off, _LANES)]
                ev = jnp.full((_LANES,), e, jnp.int32)
                gt1 = val > m1
                gt2 = val > m2
                nm2 = jnp.where(gt1, m1, jnp.where(gt2, val, m2))
                ni2 = jnp.where(gt1, i1, jnp.where(gt2, ev, i2))
                nm1 = jnp.where(gt1, val, m1)
                ni1 = jnp.where(gt1, ev, i1)
                return nm1, ni1, nm2, ni2

            m1, i1, m2, i2 = lax.fori_loop(
                0, _E, expert_step, (neg, iz, neg, iz))
            s = m1 + m2 + jnp.float32(1e-8)
            g1_v[pl.ds(off, _LANES)] = m1 / s
            g2_v[pl.ds(off, _LANES)] = m2 / s
            i1_v[pl.ds(off, _LANES)] = i1
            i2_v[pl.ds(off, _LANES)] = i2
            return 0

        lax.fori_loop(0, _CHUNK // _LANES, token_block, 0)
        base = wid * _CHUNK
        pltpu.sync_copy(g1_v, g1_hbm.at[pl.ds(base, _CHUNK)])
        pltpu.sync_copy(g2_v, g2_hbm.at[pl.ds(base, _CHUNK)])
        pltpu.sync_copy(i1_v, i1_hbm.at[pl.ds(base, _CHUNK)])
        pltpu.sync_copy(i2_v, i2_hbm.at[pl.ds(base, _CHUNK)])

    return k(probs_t3)


def kernel(x, W):
    probs_t3 = _tc_probs_t(x, W)
    g1, g2, i1, i2 = _sc_top2(probs_t3)
    router_probs = probs_t3.transpose(0, 2, 1).reshape(_TOKENS, _E)
    gate_weights = jnp.stack([g1, g2], axis=-1)
    top_k_indices = jnp.stack([i1, i2], axis=-1)
    return gate_weights, top_k_indices, router_probs

# --- scband reference (transcript-rebuilt; emitter-appended) ---
"""Pipeline reference for scband-top-krouter-12051678232650 (READ-ONLY COPY).

The authoritative reference and input builder live on the scoring server;
editing this copy changes nothing except your own understanding.
"""

import jax, jax.numpy as jnp
import numpy as np

TOKENS = 16384
DIM = 2048
NUM_EXPERTS = 64
TOP_K = 2

def setup_inputs(seed: int = 0) -> dict:
    key = jax.random.key(seed)
    k_x, k_w = jax.random.split(key, 2)
    x = jax.random.normal(k_x, (TOKENS, DIM), dtype=jnp.float32)
    # nn.Linear(dim, num_experts, bias=False) weight: (num_experts, dim)
    bound = 1.0 / np.sqrt(DIM)
    W = jax.random.uniform(k_w, (NUM_EXPERTS, DIM), dtype=jnp.float32, minval=-bound, maxval=bound)
    return {"x": x, "W": W}

def reference(x, W):
    # eval mode: jitter noise disabled (self.training is False)
    logits = x @ W.T  # (tokens, num_experts)
    router_probs = jax.nn.softmax(logits.astype(jnp.float32), axis=-1)
    top_k_probs, top_k_indices = jax.lax.top_k(router_probs, TOP_K)
    gate_weights = top_k_probs / (jnp.sum(top_k_probs, axis=-1, keepdims=True) + 1e-08)
    return (gate_weights, top_k_indices, router_probs)

if __name__ == "__main__":
    import jax
    _d = setup_inputs()
    print(jax.jit(kernel)(*tuple(_d.values())))

</pallas_src>

<mosaic_0001>
#map = affine_map<(d0, d1) -> (0, 0, 0)>
#map1 = affine_map<(d0, d1) -> (0)>
module attributes {stable_mosaic.version = 14 : i64} {
  func.func @k(%arg0: i32, %arg1: i32, %arg2: memref<32x64x512xf32, #tpu.memory_space<hbm>>, %arg3: memref<16384xf32, #tpu.memory_space<hbm>>, %arg4: memref<16384xf32, #tpu.memory_space<hbm>>, %arg5: memref<16384xi32, #tpu.memory_space<hbm>>, %arg6: memref<16384xi32, #tpu.memory_space<hbm>>, %arg7: memref<64x512xf32, #tpu.memory_space<vmem>>, %arg8: memref<512xf32, #tpu.memory_space<vmem>>, %arg9: memref<512xf32, #tpu.memory_space<vmem>>, %arg10: memref<512xi32, #tpu.memory_space<vmem>>, %arg11: memref<512xi32, #tpu.memory_space<vmem>>) attributes {dimension_semantics = [#tpu.dimension_semantics<core_parallel>, #tpu.dimension_semantics<subcore_parallel>], iteration_bounds = array<i64: 2, 16>, scalar_prefetch = 0 : i64, scratch_operands = 5 : i64, tpu.core_type = #tpu.core_type<sc_vector_subcore>, window_params = [{transform_indices = #map}, {transform_indices = #map1}, {transform_indices = #map1}, {transform_indices = #map1}, {transform_indices = #map1}]} {
    %mul3A = arith.constant 2 : i32
    %mul3A_0 = arith.muli %arg1, %mul3A : i32
    %add3A = arith.addi %mul3A_0, %arg0 : i32
    "tpu.region"() ({
      %run_scoped3A = tpu.sem_alloc : memref<!tpu.dma_semaphore, #tpu.memory_space<semaphore_mem>>
      %dma_start3A = arith.constant 0 : i32
      %dma_start3A_9 = arith.constant 0 : i32
      %dma_start3A_10 = tpu.memref_slice %arg2[%add3A, %dma_start3A, %dma_start3A_9] : memref<32x64x512xf32, #tpu.memory_space<hbm>> -> memref<1x64x512xf32, #tpu.memory_space<hbm>>
      %dma_start3A_11 = tpu.memref_squeeze %dma_start3A_10 : memref<1x64x512xf32, #tpu.memory_space<hbm>> -> memref<64x512xf32, #tpu.memory_space<hbm>>
      %dma_start3A_12 = arith.constant 0 : i32
      %dma_start3A_13 = arith.constant 0 : i32
      %dma_start3A_14 = tpu.memref_slice %arg2[%add3A, %dma_start3A_12, %dma_start3A_13] : memref<32x64x512xf32, #tpu.memory_space<hbm>> -> memref<1x64x512xf32, #tpu.memory_space<hbm>>
      %dma_start3A_15 = tpu.memref_squeeze %dma_start3A_14 : memref<1x64x512xf32, #tpu.memory_space<hbm>> -> memref<64x512xf32, #tpu.memory_space<hbm>>
      tpu.enqueue_dma source(%dma_start3A_15 : memref<64x512xf32, #tpu.memory_space<hbm>>) target(%arg7 : memref<64x512xf32, #tpu.memory_space<vmem>>) target_semaphore(%run_scoped3A : memref<!tpu.dma_semaphore, #tpu.memory_space<semaphore_mem>>)
      %dma_wait3A = arith.constant 0 : i32
      %dma_wait3A_16 = arith.constant 0 : i32
      %dma_wait3A_17 = tpu.memref_slice %arg2[%add3A, %dma_wait3A, %dma_wait3A_16] : memref<32x64x512xf32, #tpu.memory_space<hbm>> -> memref<1x64x512xf32, #tpu.memory_space<hbm>>
      %dma_wait3A_18 = tpu.memref_squeeze %dma_wait3A_17 : memref<1x64x512xf32, #tpu.memory_space<hbm>> -> memref<64x512xf32, #tpu.memory_space<hbm>>
      %dma_wait3A_19 = arith.constant 0 : i32
      %dma_wait3A_20 = arith.constant 0 : i32
      %dma_wait3A_21 = tpu.memref_slice %arg2[%add3A, %dma_wait3A_19, %dma_wait3A_20] : memref<32x64x512xf32, #tpu.memory_space<hbm>> -> memref<1x64x512xf32, #tpu.memory_space<hbm>>
      %dma_wait3A_22 = tpu.memref_squeeze %dma_wait3A_21 : memref<1x64x512xf32, #tpu.memory_space<hbm>> -> memref<64x512xf32, #tpu.memory_space<hbm>>
      tpu.wait_dma2 semaphore(%run_scoped3A : memref<!tpu.dma_semaphore, #tpu.memory_space<semaphore_mem>>) src(%dma_wait3A_22 : memref<64x512xf32, #tpu.memory_space<hbm>>) dst(%arg7 : memref<64x512xf32, #tpu.memory_space<vmem>>)
      tpu.yield
    }) : () -> ()
    %scan3A = arith.constant 0 : i32
    %scan3A_1 = arith.constant 0 : i32
    %scan3A_2 = arith.constant 32 : i32
    %scan3A_3 = arith.addi %scan3A_1, %scan3A_2 : i32
    %scan3A_4 = arith.constant 1 : i32
    %scan3A_5 = scf.for %scan3A_9 = %scan3A_1 to %scan3A_3 step %scan3A_4 iter_args(%scan3A_10 = %scan3A) -> (i32)  : i32 {
      %mul3A_11 = arith.constant 16 : i32
      %mul3A_12 = arith.muli %scan3A_9, %mul3A_11 : i32
      %broadcast_in_dim3A = arith.constant 0xFF800000 : f32
      %broadcast_in_dim3A_13 = vector.broadcast %broadcast_in_dim3A : f32 to vector<16xf32>
      %broadcast_in_dim3A_14 = arith.constant 0 : i32
      %broadcast_in_dim3A_15 = vector.broadcast %broadcast_in_dim3A_14 : i32 to vector<16xi32>
      %scan3A_16 = arith.constant 0 : i32
      %scan3A_17 = arith.constant 64 : i32
      %scan3A_18 = arith.addi %scan3A_16, %scan3A_17 : i32
      %scan3A_19 = arith.constant 1 : i32
      %scan3A_20:4 = scf.for %scan3A_43 = %scan3A_16 to %scan3A_18 step %scan3A_19 iter_args(%scan3A_44 = %broadcast_in_dim3A_13, %scan3A_45 = %broadcast_in_dim3A_15, %scan3A_46 = %broadcast_in_dim3A_13, %scan3A_47 = %broadcast_in_dim3A_15) -> (vector<16xf32>, vector<16xi32>, vector<16xf32>, vector<16xi32>)  : i32 {
        %get3A = arith.index_cast %scan3A_43 : i32 to index
        %get3A_48 = arith.index_cast %mul3A_12 : i32 to index
        %get3A_49 = tpu.vector_load %arg7[%get3A, %get3A_48] {strides = array<i32>} : memref<64x512xf32, #tpu.memory_space<vmem>>, vector<1x16xf32>,
        %get3A_50 = vector.shape_cast %get3A_49 : vector<1x16xf32> to vector<16xf32>
        %broadcast_in_dim3A_51 = vector.broadcast %scan3A_43 : i32 to vector<16xi32>
        %gt3A = arith.cmpf ogt, %get3A_50, %scan3A_44 : vector<16xf32>
        %gt3A_52 = arith.cmpf ogt, %get3A_50, %scan3A_46 : vector<16xf32>
        %select_n3A = arith.select %gt3A_52, %get3A_50, %scan3A_46 : vector<16xi1>, vector<16xf32>
        %select_n3A_53 = arith.select %gt3A, %scan3A_44, %select_n3A : vector<16xi1>, vector<16xf32>
        %select_n3A_54 = arith.select %gt3A_52, %broadcast_in_dim3A_51, %scan3A_47 : vector<16xi1>, vector<16xi32>
        %select_n3A_55 = arith.select %gt3A, %scan3A_45, %select_n3A_54 : vector<16xi1>, vector<16xi32>
        %select_n3A_56 = arith.select %gt3A, %get3A_50, %scan3A_44 : vector<16xi1>, vector<16xf32>
        %select_n3A_57 = arith.select %gt3A, %broadcast_in_dim3A_51, %scan3A_45 : vector<16xi1>, vector<16xi32>
        scf.yield %select_n3A_56, %select_n3A_57, %select_n3A_53, %select_n3A_55 : vector<16xf32>, vector<16xi32>, vector<16xf32>, vector<16xi32>
      }
      %scan3A_21 = arith.constant 64 : i32
      %add3A_22 = arith.addf %scan3A_20#0, %scan3A_20#2 : vector<16xf32>
      %add3A_23 = arith.constant 9.99999993E-9 : f32
      %add3A_24 = vector.broadcast %add3A_23 : f32 to vector<16xf32>
      %add3A_25 = arith.addf %add3A_22, %add3A_24 : vector<16xf32>
      %div3A = arith.divf %scan3A_20#0, %add3A_25 : vector<16xf32>
      %swap3A = arith.index_cast %mul3A_12 : i32 to index
      %swap3A_26 = tpu.vector_load %arg8[%swap3A] {strides = array<i32>} : memref<512xf32, #tpu.memory_space<vmem>>, vector<16xf32>,
      %swap3A_27 = vector.shape_cast %swap3A_26 : vector<16xf32> to vector<16xf32>
      %swap3A_28 = vector.shape_cast %div3A : vector<16xf32> to vector<16xf32>
      tpu.vector_store %arg8[%swap3A], %swap3A_28 {strides = array<i32>} : memref<512xf32, #tpu.memory_space<vmem>>, vector<16xf32>,
      %div3A_29 = arith.divf %scan3A_20#2, %add3A_25 : vector<16xf32>
      %swap3A_30 = arith.index_cast %mul3A_12 : i32 to index
      %swap3A_31 = tpu.vector_load %arg9[%swap3A_30] {strides = array<i32>} : memref<512xf32, #tpu.memory_space<vmem>>, vector<16xf32>,
      %swap3A_32 = vector.shape_cast %swap3A_31 : vector<16xf32> to vector<16xf32>
      %swap3A_33 = vector.shape_cast %div3A_29 : vector<16xf32> to vector<16xf32>
      tpu.vector_store %arg9[%swap3A_30], %swap3A_33 {strides = array<i32>} : memref<512xf32, #tpu.memory_space<vmem>>, vector<16xf32>,
      %swap3A_34 = arith.index_cast %mul3A_12 : i32 to index
      %swap3A_35 = tpu.vector_load %arg10[%swap3A_34] {strides = array<i32>} : memref<512xi32, #tpu.memory_space<vmem>>, vector<16xi32>,
      %swap3A_36 = vector.shape_cast %swap3A_35 : vector<16xi32> to vector<16xi32>
      %swap3A_37 = vector.shape_cast %scan3A_20#1 : vector<16xi32> to vector<16xi32>
      tpu.vector_store %arg10[%swap3A_34], %swap3A_37 {strides = array<i32>} : memref<512xi32, #tpu.memory_space<vmem>>, vector<16xi32>,
      %swap3A_38 = arith.index_cast %mul3A_12 : i32 to index
      %swap3A_39 = tpu.vector_load %arg11[%swap3A_38] {strides = array<i32>} : memref<512xi32, #tpu.memory_space<vmem>>, vector<16xi32>,
      %swap3A_40 = vector.shape_cast %swap3A_39 : vector<16xi32> to vector<16xi32>
      %swap3A_41 = vector.shape_cast %scan3A_20#3 : vector<16xi32> to vector<16xi32>
      tpu.vector_store %arg11[%swap3A_38], %swap3A_41 {strides = array<i32>} : memref<512xi32, #tpu.memory_space<vmem>>, vector<16xi32>,
      %scan3A_42 = arith.constant 0 : i32
      scf.yield %scan3A_42 : i32
    }
    %scan3A_6 = arith.constant 32 : i32
    %mul3A_7 = arith.constant 512 : i32
    %mul3A_8 = arith.muli %add3A, %mul3A_7 : i32
    "tpu.region"() ({
      %run_scoped3A = tpu.sem_alloc : memref<!tpu.dma_semaphore, #tpu.memory_space<semaphore_mem>>
      %dma_start3A = tpu.memref_slice %arg3[%mul3A_8] : memref<16384xf32, #tpu.memory_space<hbm>> -> memref<512xf32, #tpu.memory_space<hbm>>
      %dma_start3A_9 = tpu.memref_slice %arg3[%mul3A_8] : memref<16384xf32, #tpu.memory_space<hbm>> -> memref<512xf32, #tpu.memory_space<hbm>>
      tpu.enqueue_dma source(%arg8 : memref<512xf32, #tpu.memory_space<vmem>>) target(%dma_start3A_9 : memref<512xf32, #tpu.memory_space<hbm>>) target_semaphore(%run_scoped3A : memref<!tpu.dma_semaphore, #tpu.memory_space<semaphore_mem>>)
      %dma_wait3A = tpu.memref_slice %arg3[%mul3A_8] : memref<16384xf32, #tpu.memory_space<hbm>> -> memref<512xf32, #tpu.memory_space<hbm>>
      %dma_wait3A_10 = tpu.memref_slice %arg3[%mul3A_8] : memref<16384xf32, #tpu.memory_space<hbm>> -> memref<512xf32, #tpu.memory_space<hbm>>
      tpu.wait_dma2 semaphore(%run_scoped3A : memref<!tpu.dma_semaphore, #tpu.memory_space<semaphore_mem>>) src(%arg8 : memref<512xf32, #tpu.memory_space<vmem>>) dst(%dma_wait3A_10 : memref<512xf32, #tpu.memory_space<hbm>>)
      tpu.yield
    }) : () -> ()
    "tpu.region"() ({
      %run_scoped3A = tpu.sem_alloc : memref<!tpu.dma_semaphore, #tpu.memory_space<semaphore_mem>>
      %dma_start3A = tpu.memref_slice %arg4[%mul3A_8] : memref<16384xf32, #tpu.memory_space<hbm>> -> memref<512xf32, #tpu.memory_space<hbm>>
      %dma_start3A_9 = tpu.memref_slice %arg4[%mul3A_8] : memref<16384xf32, #tpu.memory_space<hbm>> -> memref<512xf32, #tpu.memory_space<hbm>>
      tpu.enqueue_dma source(%arg9 : memref<512xf32, #tpu.memory_space<vmem>>) target(%dma_start3A_9 : memref<512xf32, #tpu.memory_space<hbm>>) target_semaphore(%run_scoped3A : memref<!tpu.dma_semaphore, #tpu.memory_space<semaphore_mem>>)
      %dma_wait3A = tpu.memref_slice %arg4[%mul3A_8] : memref<16384xf32, #tpu.memory_space<hbm>> -> memref<512xf32, #tpu.memory_space<hbm>>
      %dma_wait3A_10 = tpu.memref_slice %arg4[%mul3A_8] : memref<16384xf32, #tpu.memory_space<hbm>> -> memref<512xf32, #tpu.memory_space<hbm>>
      tpu.wait_dma2 semaphore(%run_scoped3A : memref<!tpu.dma_semaphore, #tpu.memory_space<semaphore_mem>>) src(%arg9 : memref<512xf32, #tpu.memory_space<vmem>>) dst(%dma_wait3A_10 : memref<512xf32, #tpu.memory_space<hbm>>)
      tpu.yield
    }) : () -> ()
    "tpu.region"() ({
      %run_scoped3A = tpu.sem_alloc : memref<!tpu.dma_semaphore, #tpu.memory_space<semaphore_mem>>
      %dma_start3A = tpu.memref_slice %arg5[%mul3A_8] : memref<16384xi32, #tpu.memory_space<hbm>> -> memref<512xi32, #tpu.memory_space<hbm>>
      %dma_start3A_9 = tpu.memref_slice %arg5[%mul3A_8] : memref<16384xi32, #tpu.memory_space<hbm>> -> memref<512xi32, #tpu.memory_space<hbm>>
      tpu.enqueue_dma source(%arg10 : memref<512xi32, #tpu.memory_space<vmem>>) target(%dma_start3A_9 : memref<512xi32, #tpu.memory_space<hbm>>) target_semaphore(%run_scoped3A : memref<!tpu.dma_semaphore, #tpu.memory_space<semaphore_mem>>)
      %dma_wait3A = tpu.memref_slice %arg5[%mul3A_8] : memref<16384xi32, #tpu.memory_space<hbm>> -> memref<512xi32, #tpu.memory_space<hbm>>
      %dma_wait3A_10 = tpu.memref_slice %arg5[%mul3A_8] : memref<16384xi32, #tpu.memory_space<hbm>> -> memref<512xi32, #tpu.memory_space<hbm>>
      tpu.wait_dma2 semaphore(%run_scoped3A : memref<!tpu.dma_semaphore, #tpu.memory_space<semaphore_mem>>) src(%arg10 : memref<512xi32, #tpu.memory_space<vmem>>) dst(%dma_wait3A_10 : memref<512xi32, #tpu.memory_space<hbm>>)
      tpu.yield
    }) : () -> ()
    "tpu.region"() ({
      %run_scoped3A = tpu.sem_alloc : memref<!tpu.dma_semaphore, #tpu.memory_space<semaphore_mem>>
      %dma_start3A = tpu.memref_slice %arg6[%mul3A_8] : memref<16384xi32, #tpu.memory_space<hbm>> -> memref<512xi32, #tpu.memory_space<hbm>>
      %dma_start3A_9 = tpu.memref_slice %arg6[%mul3A_8] : memref<16384xi32, #tpu.memory_space<hbm>> -> memref<512xi32, #tpu.memory_space<hbm>>
      tpu.enqueue_dma source(%arg11 : memref<512xi32, #tpu.memory_space<vmem>>) target(%dma_start3A_9 : memref<512xi32, #tpu.memory_space<hbm>>) target_semaphore(%run_scoped3A : memref<!tpu.dma_semaphore, #tpu.memory_space<semaphore_mem>>)
      %dma_wait3A = tpu.memref_slice %arg6[%mul3A_8] : memref<16384xi32, #tpu.memory_space<hbm>> -> memref<512xi32, #tpu.memory_space<hbm>>
      %dma_wait3A_10 = tpu.memref_slice %arg6[%mul3A_8] : memref<16384xi32, #tpu.memory_space<hbm>> -> memref<512xi32, #tpu.memory_space<hbm>>
      tpu.wait_dma2 semaphore(%run_scoped3A : memref<!tpu.dma_semaphore, #tpu.memory_space<semaphore_mem>>) src(%arg11 : memref<512xi32, #tpu.memory_space<vmem>>) dst(%dma_wait3A_10 : memref<512xi32, #tpu.memory_space<hbm>>)
      tpu.yield
    }) : () -> ()
    return
  }
}

module attributes {stable_mosaic.version = 14 : i64} {
  func.func @_tc_body(%arg0: i32, %arg1: memref<512x2048xf32, #tpu.memory_space<vmem>>, %arg2: memref<64x2048xf32, #tpu.memory_space<vmem>>, %arg3: memref<1x64x512xf32, #tpu.memory_space<vmem>>) attributes {dimension_semantics = [#tpu.dimension_semantics<arbitrary>], iteration_bounds = array<i64: 32>, scalar_prefetch = 0 : i64, scratch_operands = 0 : i64, tpu.core_type = #tpu.core_type<tc>, window_params = [{transform_indices = @transform_0, window_bounds = array<i64: 512, 2048>}, {pipeline_mode = #tpu.pipeline_mode<synchronous>, transform_indices = @transform_1, window_bounds = array<i64: 64, 2048>}, {transform_indices = @transform_2, window_bounds = array<i64: 1, 64, 512>}]} {
    %get3A = arith.constant 0 : index
    %get3A_0 = arith.constant 0 : index
    %get3A_1 = vector.load %arg2[%get3A, %get3A_0] : memref<64x2048xf32, #tpu.memory_space<vmem>>, vector<64x2048xf32>
    %get3A_2 = arith.constant 0 : index
    %get3A_3 = arith.constant 0 : index
    %get3A_4 = vector.load %arg1[%get3A_2, %get3A_3] : memref<512x2048xf32, #tpu.memory_space<vmem>>, vector<512x2048xf32>
    %dot_general3A = arith.constant dense<0.000000e+00> : vector<64x512xf32>
    %dot_general3A_5 = tpu.matmul %get3A_1, %get3A_4, %dot_general3A {dimension_numbers = #tpu.dot_dimension_numbers<[1], [1], [0], [0], [0, 0, 1, 0], [], []>, transpose_lhs_hint = false} : vector<64x2048xf32>, vector<512x2048xf32>, vector<64x512xf32> -> vector<64x512xf32>
    %reduce_max3A = arith.constant dense<0xFF800000> : vector<512xf32>
    %reduce_max3A_6 = vector.multi_reduction <maximumf>, %dot_general3A_5, %reduce_max3A [0] : vector<64x512xf32> to vector<512xf32>
    %broadcast_in_dim3A = vector.shape_cast %reduce_max3A_6 : vector<512xf32> to vector<1x512xf32>
    %sub3A = vector.broadcast %broadcast_in_dim3A : vector<1x512xf32> to vector<64x512xf32>
    %sub3A_7 = arith.subf %dot_general3A_5, %sub3A : vector<64x512xf32>
    %exp3A = math.exp %sub3A_7 : vector<64x512xf32>
    %reduce_sum3A = arith.constant dense<0.000000e+00> : vector<512xf32>
    %reduce_sum3A_8 = vector.multi_reduction <add>, %exp3A, %reduce_sum3A [0] : vector<64x512xf32> to vector<512xf32>
    %broadcast_in_dim3A_9 = vector.shape_cast %reduce_sum3A_8 : vector<512xf32> to vector<1x512xf32>
    %div3A = vector.broadcast %broadcast_in_dim3A_9 : vector<1x512xf32> to vector<64x512xf32>
    %div3A_10 = arith.divf %exp3A, %div3A : vector<64x512xf32>
    %swap3A = arith.constant 0 : index
    %swap3A_11 = arith.constant 0 : index
    %swap3A_12 = arith.constant 0 : index
    %swap3A_13 = vector.load %arg3[%swap3A, %swap3A_11, %swap3A_12] : memref<1x64x512xf32, #tpu.memory_space<vmem>>, vector<1x64x512xf32>
    %swap3A_14 = vector.shape_cast %swap3A_13 : vector<1x64x512xf32> to vector<64x512xf32>
    %swap3A_15 = vector.shape_cast %div3A_10 : vector<64x512xf32> to vector<1x64x512xf32>
    tpu.vector_store %arg3[%swap3A, %swap3A_11, %swap3A_12], %swap3A_15 {strides = array<i32>} : memref<1x64x512xf32, #tpu.memory_space<vmem>>, vector<1x64x512xf32>,
    return
  }
  func.func @transform_0(%arg0: i32) -> (i32, i32) {
    %c0_i32 = arith.constant 0 : i32
    %c0_i32_0 = arith.constant 0 : i32
    return %arg0, %c0_i32 : i32, i32
  }
  func.func @transform_1(%arg0: i32) -> (i32, i32) {
    %c0_i32 = arith.constant 0 : i32
    %c0_i32_0 = arith.constant 0 : i32
    %c0_i32_1 = arith.constant 0 : i32
    return %c0_i32, %c0_i32_0 : i32, i32
  }
  func.func @transform_2(%arg0: i32) -> (i32, i32, i32) {
    %c0_i32 = arith.constant 0 : i32
    %c0_i32_0 = arith.constant 0 : i32
    %c0_i32_1 = arith.constant 0 : i32
    return %arg0, %c0_i32, %c0_i32_0 : i32, i32, i32
  }
}

</mosaic_0001>

<sc_bundles>
// kernel: kernel.4.cloned.1.call-start
scs
__scs_entry_jumppad:
0x0: {  	(pc) =	sbr.rel $0x88, $3  }
0x1: {  	(tag) =	ssettag $0x0;
	lr =	simm.s32 $0x1  }
0x2: {  	[smem:$0x3F9F] =	sst lr;
	_ =	strace $0xD0000000  }
0x3: {  	_ = 	snop  }
0x4: {  	_ = 	snop  }
0x5: {  	_ = 	snop  }
0x6: {  	_ = 	snop  }
0x7: {  	_ = 	snop  }
__scs_overlays_trampoline_lowered:
0x8: {  	[smem:$0x3FAE] =	sst s0  }
0x9: {  	[smem:$0x3FAF] =	sst s1  }
0xa: {  	[smem:$0x3FB0] =	sst s2  }
0xb: {  	[smem:$0x3FB1] =	sst s3  }
0xc: {  	[smem:$0x3FB2] =	sst s4  }
0xd: {  	[smem:$0x3FB3] =	sst s5  }
0xe: {  	[smem:$0x3FB4] =	sst s6  }
0xf: {  	[smem:$0x3FB5] =	sst s7  }
0x10: {  	[smem:$0x3FB6] =	sst s8  }
0x11: {  	[smem:$0x3FB7] =	sst s9;
	s0 =	simm.s32 @!p0 $0x0  }
0x12: {  	s1 =	sld [smem:$0x3F9D];
	s0 =	simm.s32 @p0 $0x1  }
0x13: {  	[smem:$0x3FB8] =	sst s0;
	s0 =	simm.s32 @!p1 $0x0  }
0x14: {  	s2 =	sld [smem:$0x3F9C];
	s0 =	simm.s32 @p1 $0x1  }
0x15: {  	[smem:$0x3FB9] =	sst s0;
	s0 =	simm.s32 @!p2 $0x0  }
0x16: {  	s3 =	sld [smem:$0x3FDB];
	s0 =	simm.s32 @p2 $0x1  }
0x17: {  	s4 =	simm.s32 $0x1BF5;
	[smem:$0x3FBB] =	sst s0  }
0x18: {  	s0 =	sld [smem:$0x3F9E];
	_ =	swait.ge [sflag:s4], $0x0  }
0x19: {  	s7 =	sld [smem:$0x3F9F]  }
0x1a: {  	s8 =	sadd.s32 $0xFFFFE003, lr  }
0x1b: {  	s9 =	sadd.s32 $0xFFFFFEF7, lr;
	s5 =	simm.s32 $0xFFFFFFFF;
	p2 =	slt.u32 s8, $0xFFFFF086  }
0x1c: {  	p1 =	slt.u32 s9, $0xF7A;
	s5 =	simm.s32 @!p2 $0x0  }
0x1d: {  	s5 =	simm.s32 @p1 $0x1;
	p0 =	seq.s32 s7, s2  }
0x1e: {  	s7 =	smul.u32 @!p0 $0xF7A, s2;
	p2 =	seq.s32 @!p0 s5, $0x0  }
0x1f: {  	s9 =	smul.u32 $0xF7A, s1;
	s8 =	simm.s32 @!p0 $0x1BF5;
	p2 =	por !p2, p0  }
0x20: {  	[sflag:s8] =	ssyncset.s32 @!p0 $0xFFFFF086;
	s6 =	sadd.s32 @!p0 s3, s7;
	s7 =	simm.s32 @!p0 $0x108  }
0x21: {  	s3 =	sadd.s32 s3, s9;
	s6 =	sadd.s32 @!p0 $0x88, s6;
	s7 =	simm.s32 @p2 $0x1082  }
0x22: {  	[simem:s7], [sflag:s8] =	dma.local @!p0 [hbm:s6], $0xF7A  }
0x23: {  	s9 =	sor.u32 $0xD0000000, s2;
	s6 =	simm.s32 $0x108;
	_ =	swait.ge @!p0 [sflag:s8], $0x0  }
0x24: {  	s3 =	sadd.s32 $0x88, s3;
	s6 =	simm.s32 @!p1 $0x1082;
	[sflag:s4] =	ssyncset.s32 $0xFFFFF086  }
0x25: {  	[simem:s6], [sflag:s4] =	dma.local [hbm:s3], $0xF7A  }
0x26: {  	[smem:$0x3F9F] =	sst s1;
	(tag) =	ssettag s2;
	_ =	strace s9  }
0x27: {  	s1 =	sld [smem:$0x3FAF]  }
0x28: {  	s2 =	sld [smem:$0x3FB0]  }
0x29: {  	s4 =	sld [smem:$0x3FB2]  }
0x2a: {  	p0 =	seq.s32 s5, $0x0;
	s5 =	sld [smem:$0x3FB3]  }
0x2b: {  	s6 =	sld [smem:$0x3FB4]  }
0x2c: {  	s7 =	sld [smem:$0x3FB5]  }
0x2d: {  	s3 =	simm.s32 $0x108;
	s8 =	sld [smem:$0x3FB6]  }
0x2e: {  	s3 =	simm.s32 @!p0 $0x1082;
	s9 =	sld [smem:$0x3FB7]  }
0x2f: {  	lr =	sadd.s32 s0, s3;
	s0 =	sld [smem:$0x3FAE]  }
0x30: {  	s3 =	sld [smem:$0x3FB1]  }
0x31: {  	[smem:$0x3FBA] =	sst s10  }
0x32: {  	s10 =	sld [smem:$0x3FB8];
	_ =	sdelay $0x3  }
0x33: {  	p0 =	seq.s32 s10, $0x1;
	s10 =	sld [smem:$0x3FBA];
	_ =	sdelay $0x3  }
0x34: {  	[smem:$0x3FBA] =	sst s10  }
0x35: {  	s10 =	sld [smem:$0x3FB9];
	_ =	sdelay $0x3  }
0x36: {  	p1 =	seq.s32 s10, $0x1;
	s10 =	sld [smem:$0x3FBA];
	_ =	sdelay $0x3  }
0x37: {  	[smem:$0x3FBA] =	sst s10  }
0x38: {  	s10 =	sld [smem:$0x3FBB]  }
0x39: {  	_ = 	snop;
	(pc) =	sbr.ind lr, $3  }
0x3a: {  	_ = 	snop  }
0x3b: {  	_ = 	snop  }
0x3c: {  	p2 =	seq.s32 s10, $0x1;
	s10 =	sld [smem:$0x3FBA]  }
0x3d: {  	_ =	shalt  }
0x3e: {  	_ =	shalt  }
0x3f: {  	_ =	shalt  }
0x40: {  	_ =	shalt  }
0x41: {  	_ =	shalt  }
0x42: {  	_ =	shalt  }
0x43: {  	_ =	shalt  }
0x44: {  	_ =	shalt  }
0x45: {  	_ =	shalt  }
0x46: {  	_ =	shalt  }
0x47: {  	_ =	shalt  }
0x48: {  	_ =	shalt  }
0x49: {  	_ =	shalt  }
0x4a: {  	_ =	shalt  }
0x4b: {  	_ =	shalt  }
0x4c: {  	_ =	shalt  }
0x4d: {  	_ =	shalt  }
0x4e: {  	_ =	shalt  }
0x4f: {  	_ =	shalt  }
0x50: {  	_ =	shalt  }
0x51: {  	_ =	shalt  }
0x52: {  	_ =	shalt  }
0x53: {  	_ =	shalt  }
0x54: {  	_ =	shalt  }
0x55: {  	_ =	shalt  }
0x56: {  	_ =	shalt  }
0x57: {  	_ =	shalt  }
0x58: {  	_ =	shalt  }
0x59: {  	_ =	shalt  }
0x5a: {  	_ =	shalt  }
0x5b: {  	_ =	shalt  }
0x5c: {  	_ =	shalt  }
0x5d: {  	_ =	shalt  }
0x5e: {  	_ =	shalt  }
0x5f: {  	_ =	shalt  }
0x60: {  	_ =	shalt  }
0x61: {  	_ =	shalt  }
0x62: {  	_ =	shalt  }
0x63: {  	_ =	shalt  }
0x64: {  	_ =	shalt  }
0x65: {  	_ =	shalt  }
0x66: {  	_ =	shalt  }
0x67: {  	_ =	shalt  }
0x68: {  	_ =	shalt  }
0x69: {  	_ =	shalt  }
0x6a: {  	_ =	shalt  }
0x6b: {  	_ =	shalt  }
0x6c: {  	_ =	shalt  }
0x6d: {  	_ =	shalt  }
0x6e: {  	_ =	shalt  }
0x6f: {  	_ =	shalt  }
0x70: {  	_ =	shalt  }
0x71: {  	_ =	shalt  }
0x72: {  	_ =	shalt  }
0x73: {  	_ =	shalt  }
0x74: {  	_ =	shalt  }
0x75: {  	_ =	shalt  }
0x76: {  	_ =	shalt  }
0x77: {  	_ =	shalt  }
0x78: {  	_ =	shalt  }
0x79: {  	_ =	shalt  }
0x7a: {  	_ =	shalt  }
0x7b: {  	_ =	shalt  }
0x7c: {  	_ =	shalt  }
0x7d: {  	_ =	shalt  }
0x7e: {  	_ =	shalt  }
0x7f: {  	_ =	shalt  }
0x80: {  	_ =	shalt  }
0x81: {  	_ =	shalt  }
0x82: {  	_ =	shalt  }
0x83: {  	_ =	shalt  }
0x84: {  	_ =	shalt  }
0x85: {  	_ =	shalt  }
0x86: {  	_ =	shalt  }
0x87: {  	_ =	shalt  }
.Lfunc_end0:
.L_simem_size_0:
called_computation_lowered:
.L_overlay_start_0:
0x88: {  	s2 =	sld [smem:$0x3FD9]  }
0x89: {  	s3 =	sld [smem:$0x3FFE];
	_ =	sdelay $0x1  }
0x8a: {  	s1 =	srdreg.scid  }
0x8b: {  	s0 =	sand.u32 $0x1, s1  }
0x8c: {  	s14 =	sshll.u32 s0, $0xA;
	s2 =	sadd.s32 s3, s2  }
0x8d: {  	s2 =	sadd.s32 s2, s14  }
0x8e: {  	[smem:$0x3FC6] =	sst s2  }
0x8f: {  	_ = 	snop  }
0x90: {  	s2 =	sld [smem:$0x3FD0];
	_ =	sdelay $0x2  }
0x91: {  	s15 =	simm.s32 $0xA;
	s4 =	simm.s32 $0x10  }
0x92: {  	[smem:s4], [sflag:s15] =	dma.local [hbm:s2], $0x1  }
0x93: {  	_ =	swait.eq [sflag:s15], $0x1  }
0x94: {  	[sflag:s15] =	ssyncset.done $0x0  }
0x95: {  	[sflag:s15] =	ssyncadd.s32 $0xFFFFFFFF  }
0x96: {  	s16 =	sld [smem:$0x11];
	(tm) =	ssettm $0x1  }
0x97: {  	s17 =	sld [smem:$0x3FFB];
	_ =	sdelay $0x3  }
0x98: {  	_ =	strace s17  }
0x99: {  	s3 =	sld [smem:$0x3FFC];
	_ =	sdelay $0x3  }
0x9a: {  	_ =	strace s3  }
0x9b: {  	s3 =	sld [smem:$0x3FFD];
	_ =	sdelay $0x3  }
0x9c: {  	_ =	strace s3  }
0x9d: {  	_ =	strace $0x8FFFFFFF  }
0x9e: {  	s18 =	sld [smem:$0x3FDB];
	_ =	sdelay $0x1  }
0x9f: {  	s19 =	simm.s32 $_scs_section_size  }
0xa0: {  	s5 =	simm.s32 $_size__tile_overlayer_lowered;
	s6 =	simm.s32 $_tile_overlayer_lowered  }
0xa1: {  	s22 =	simm.s32 $0x1BFF;
	s21 =	sshll.u32 s6, $0x1;
	s3 =	sadd.s32 s19, s18  }
0xa2: {  	s7 =	simm.s32 $0x0;
	s20 =	sshll.u32 s5, $0x1;
	s5 =	sadd.s32 s21, s3  }
0xa3: {  	[timem:s7], [sflag:s22] =	dma.local [hbm:s5], s20  }
0xa4: {  	_ =	swait.ge [sflag:s22], s20  }
0xa5: {  	s4 =	ssub.s32 $0x0, s20;
	[sflag:s22] =	ssyncset.done $0x0  }
0xa6: {  	[sflag:s22] =	ssyncadd.s32 s4;
	_ =	sdelay $0x1  }
0xa7: {  	s23 =	simm.s32 $0x1B8B  }
0xa8: {  	_ =	swait.ge [sflag:s23], $0x1  }
0xa9: {  	[sflag:s23] =	ssyncset.done $0x0  }
0xaa: {  	s25 =	simm.s32 $0x1B8E;
	s24 =	sld [smem:$0x3FFE];
	[sflag:s23] =	ssyncadd.s32 $0xFFFFFFFF  }
0xab: {  	s26 =	simm.s32 $execute0_lowered;
	[smem:$0x3FD2] =	sst s25  }
0xac: {  	s5 =	sshll.u32 s26, $0x1;
	_ =	strace $0x80000046;
	[dreg:$0x1] =	wrdreg $0xFFFFFFFF  }
0xad: {  	s28 =	simm.s32 $_size_execute0_lowered;
	s3 =	sadd.s32 s3, s5;
	[dreg:$0x0] =	wrdreg $0x0  }
0xae: {  	s5 =	sshll.u32 s28, $0x1;
	[dreg:$0x2] =	wrdreg s3  }
0xaf: {  	[dreg:$0x3] =	wrdreg s5  }
0xb0: {  	[dreg:$0x4] =	wrdreg $0xC0  }
0xb1: {  	_ =	task [dreg:s7], $0x5FFFF  }
0xb2: {  	[dreg:$0x1] =	wrdreg $0xFFFFFFFF  }
0xb3: {  	[dreg:$0x0] =	wrdreg $0x60  }
0xb4: {  	[dreg:$0x2] =	wrdreg s24  }
0xb5: {  	[dreg:$0x3] =	wrdreg s16  }
0xb6: {  	[dreg:$0x4] =	wrdreg $0x9  }
0xb7: {  	_ =	task.clear_ibuf [dreg:s7], $0x5FFFF;
	_ =	strace $0x90000046  }
0xb8: {  	s29 =	simm.s32 $0x9;
	_ =	strace $0x80000048  }
0xb9: {  	_ =	swait.ge [sflag:s29], $0x1  }
0xba: {  	[sflag:s29] =	ssyncadd.s32 $0xFFFFFFFF  }
0xbb: {  	_ =	strace $0x90000048  }
0xbc: {  	_ =	sfence  }
0xbd: {  	s30 =	sld [smem:$0x0];
	_ =	sdelay $0x2  }
0xbe: {  	s31 =	sshll.u32 s1, $0xD;
	s1 =	sshrl.u32 s1, $0x2  }
0xbf: {  	s3 =	sand.u32 $0x4000, s31;
	s1 =	sadd.s32 s1, s30  }
0xc0: {  	s0 =	sor.u32 s3, s0;
	s1 =	sshll.u32 s1, $0x11  }
0xc1: {  	s0 =	sor.u32 s1, s0  }
0xc2: {  	s0 =	sadd.s32 $0x8F2B, s0  }
0xc3: {  	[sflag:s0] =	ssyncadd.remote.s32 $0x1  }
0xc4: {  	_ =	sfence.sel $0xFFFF  }
0xc5: {  	[dreg:$0x0] =	wrdreg $0xFFFFFFFF;
	(pc) =	sbr.abs _section_cstart, $3  }
0xc6: {  	[dreg:$0x1] =	wrdreg $0xFFFFFFFF  }
0xc7: {  	_ =	task.clear_ibuf [dreg:s7], $0x2FFFF;
	_ =	strace $0x9FFFFFFF  }
0xc8: {  	(tm) =	ssettm $0x7FFFFFFF  }
0xc9: {  	_ =	shalt  }
tec
execute0_lowered:
.L_overlay_start_1:
0x0: {  	(tag) =	ssettag $0x1  }
0x1: {  	s3 =	rddreg [dreg:$0x0]  }
0x2: {  	s4 =	rddreg [dreg:$0x1]  }
0x3: {  	s0 =	rddreg [dreg:$0x2]  }
0x4: {  	s2 =	simm.s32 $0x0;
	s5 =	srdreg.scid;
	s1 =	stileid.u32  }
0x5: {  	s10 =	simm.s32 $0x8000;
	s11 =	simm.s32 $0x8200;
	s12 =	simm.s32 $0x8400  }
0x6: {  	s13 =	simm.s32 $0x8600;
	s5 =	sand.u32 $0x1, s5;
	s6 =	sshll.u32 s1, $0x1  }
0x7: {  	s14 =	simm.s32 $0x0;
	[smem:$0x7FF] =	sst s2;
	s6 =	sor.u32 s5, s6  }
0x8: {  	_ =	strace $0x80000047;
	s5 =	ssub.s32 $0x2, s5;
	s7 =	sshll.u32 s6, $0xC  }
0x9: {  	s6 =	sshll.u32 s6, $0x6;
	s8 =	sshrl.u32 s5, $0x1;
	s7 =	sadd.s32 s7, s3  }
0xa: {  	s9 =	sadd.s32 s6, s3;
	s8 =	ssub.s32 s5, s8;
	s4 =	sadd.s32 s4, s6  }
0xb: {  	s3 =	sadd.s32 $0xE00, s7;
	s5 =	sadd.s32 $0x20E00, s9;
	s6 =	sadd.s32 $0x21600, s9  }
0xc: {  	s7 =	sadd.s32 $0x21E00, s9;
	s8 =	smax.u32 s8, $0x1;
	s9 =	simm.s32 $0x1  }
.LBB2_1:
0xd: {  	[tilespmem:s2], [sflag:$0x1] =	stream.linear.gather [hbm4b:s3+s2], $0x8000, $0x38;
	[tilespmem:$0x8800] =	vst v63  }
0xe: {  	_ =	swait.ge [sflag:s9], $0x8000  }
0xf: {  	[sflag:s9] =	ssyncset.done $0x0  }
0x10: {  	s15 =	simm.s32 $0x0;
	[sflag:s9] =	ssyncadd.s32 $0xFFFF8000  }
.LBB2_2:
0x11: {  	s16 =	sshll.u32 s15, $0x4  }
0x12: {  	s17 =	sand.u32 $0x70, s16  }
0x13: {  	v0 =	vmov s17  }
0x14: {  	s18 =	sshll.u32 s15, $0x7;
	s17 =	simm.s32 $0x0  }
0x15: {  	s19 =	sand.u32 $0xC00, s18;
	s29 =	sand.u32 $0x7000, s17  }
0x16: {  	s20 =	sand.u32 $0x380, s17;
	s18 =	sor.u32 s29, s19  }
0x17: {  	s18 =	sadd.s32 s20, s18  }
0x18: {  	v4 =	vld.idx.msk [tilespmem:v0+s18+$0x0 ss:$0x1], $0xffff;
	_ =	sdelay $0x2  }
0x19: {  	s30 =	simm.s32 $0x200  }
0x1a: {  	v6 =	vimm.f32 $-Inf;
	s31 =	simm.s32 $0x80;
	s18 =	sand.u32 $0x7000, s30  }
0x1b: {  	v1 =	vimm.s32 $0x0;
	s20 =	sand.u32 $0x380, s31;
	s21 =	sor.u32 s18, s19;
	vm1 =	vgt.f32 v4, v6  }
0x1c: {  	s22 =	simm.s32 $0x400;
	s21 =	sadd.s32 s20, s21;
	vm0 =	vgt.f32 v4, v6;
	v2 =	vsel vm1, v4, v6;
	v7 =	vsel vm1, s17, v1  }
0x1d: {  	s18 =	simm.s32 $0x1;
	s20 =	simm.s32 $0x2;
	v3 =	vld.idx.msk [tilespmem:v0+s21+$0x0 ss:$0x1], $0xffff;
	s21 =	simm.s32 $0x100;
	v4 =	vsel vm0, v4, v6;
	v5 =	vsel vm0, v6, v2;
	v2 =	vsel vm0, v1, v7  }
.LBB2_3:
0x1e: {  	s23 =	sand.u32 $0x7000, s22;
	p0 =	sne.s32 s20, $0x3F  }
0x1f: {  	v1 =	vsel vm0, s17, v1;
	s17 =	smov.u32 s18;
	s18 =	smov.u32 s20;
	s20 =	sadd.s32 $0x1, s20  }
.Ltmp0:
0x20: {  	s24 =	sand.u32 $0x380, s21;
	s23 =	sor.u32 s23, s19;
	(pc) =	sbr.rel @p0 .LBB2_3-.Ltmp0, $4  }
0x21: {  	s23 =	sadd.s32 s24, s23  }
0x22: {  	vm1 =	vgt.f32 v3, v5;
	v6 =	vmov v3;
	v3 =	vld.idx.msk [tilespmem:v0+s23+$0x0 ss:$0x1], $0xffff  }
0x23: {  	vm0 =	vgt.f32 v6, v4;
	v5 =	vsel vm1, v6, v5;
	v2 =	vsel vm1, s17, v2  }
0x24: {  	s21 =	sadd.s32 $0x80, s21;
	s22 =	sadd.s32 $0x200, s22;
	v5 =	vsel vm0, v4, v5;
	v2 =	vsel vm0, v1, v2;
	v4 =	vsel vm0, v6, v4  }
0x25: {  	_ =	sdelay $0x1  }
0x26: {  	vm1 =	vgt.f32 v3, v5  }
0x27: {  	vm2 =	vgt.f32 v3, v4;
	v0 =	vsel vm1, v3, v5  }
0x28: {  	v61 =	vsel vm2, v3, v4;
	v0 =	vsel vm2, v4, v0  }
0x29: {  	v4 =	vadd.f32 v0, v61;
	_ =	sdelay $0x1  }
0x2a: {  	v4 =	vadd.f32 $9.999999930e-09, v4;
	_ =	sdelay $0x1  }
0x2b: {  	(erf) = vrcp.f32 v4;
	_ =	sdelay $0x6  }
0x2c: {  	s15 =	sadd.s32 $0x1, s15  }
0x2d: {  	v1 =	vsel vm0, s17, v1;
	p0 =	sne.s32 s15, $0x20  }
.Ltmp1:
0x2e: {  	v2 =	vsel vm1, s18, v2;
	v62 =	vsel vm2, s18, v1;
	v4 =	vpop (erf);
	(pc) =	sbr.rel @p0 .LBB2_2-.Ltmp1, $4  }
0x2f: {  	v63 =	vsel vm2, v1, v2;
	[tilespmem:s16+$0x8400] =	vst v62;
	v3 =	vmul.f32 v4, v61  }
0x30: {  	[tilespmem:s16+$0x8600] =	vst v63;
	v0 =	vmul.f32 v4, v0  }
0x31: {  	[tilespmem:s16+$0x8000] =	vst v3  }
0x32: {  	[tilespmem:s16+$0x8200] =	vst v0  }
0x33: {  	[hbm4b:s4+s2] =	stream.linear.scatter [tilespmem:s10], [sflag:$0x1], $0x200, $0x38;
	[tilespmem:$0x8800] =	vst v63  }
0x34: {  	_ =	swait.ge [sflag:s9], $0x200  }
0x35: {  	[sflag:s9] =	ssyncset.done $0x0  }
0x36: {  	[sflag:s9] =	ssyncadd.s32 $0xFFFFFE00  }
0x37: {  	[hbm4b:s5+s2] =	stream.linear.scatter [tilespmem:s11], [sflag:$0x1], $0x200, $0x38;
	[tilespmem:$0x8800] =	vst v63  }
0x38: {  	_ =	swait.ge [sflag:s9], $0x200  }
0x39: {  	[sflag:s9] =	ssyncset.done $0x0  }
0x3a: {  	[sflag:s9] =	ssyncadd.s32 $0xFFFFFE00  }
0x3b: {  	[hbm4b:s6+s2] =	stream.linear.scatter [tilespmem:s12], [sflag:$0x1], $0x200, $0x38;
	[tilespmem:$0x8800] =	vst v63  }
0x3c: {  	s14 =	sadd.s32 $0x1, s14;
	_ =	swait.ge [sflag:s9], $0x200  }
0x3d: {  	p0 =	sne.s32 s14, s8;
	[sflag:s9] =	ssyncset.done $0x0  }
.Ltmp2:
0x3e: {  	[sflag:s9] =	ssyncadd.s32 $0xFFFFFE00;
	(pc) =	sbr.rel @p0 .LBB2_1-.Ltmp2, $4  }
0x3f: {  	[hbm4b:s7+s2] =	stream.linear.scatter [tilespmem:s13], [sflag:$0x1], $0x200, $0x38;
	[tilespmem:$0x8800] =	vst v63  }
0x40: {  	_ =	swait.ge [sflag:s9], $0x200  }
0x41: {  	[sflag:s9] =	ssyncset.done $0x0  }
0x42: {  	[sflag:s9] =	ssyncadd.s32 $0xFFFFFE00  }
0x43: {  	_ =	sfence.sel $0x180000  }
0x44: {  	[bflag:$0x0] =	sbarrier.arrive $0xFFFF  }
0x45: {  	p0 =	sne.s32 s1, $0x0;
	_ =	strace $0x90000047  }
0x46: {  	s0 =	sadd.s32 @!p0 $0x100000, s0;
	[bflag:$0x2] =	sbarrier.arrive $0xFFFF  }
0x47: {  	[sflag:s0] =	ssyncadd.tile.s32 @!p0 $0x1;
	_ =	shalt  }
.Lfunc_end2:
_tile_overlayer_lowered:
.L_overlay_start_2:
0x48: {  	(tag) =	ssettag $0x2  }
0x49: {  	s0 =	rddreg [dreg:$0x0];
	s2 =	stileid.u32  }
0x4a: {  	s1 =	rddreg [dreg:$0x1];
	p0 =	sne.s32 s2, $0x0  }
0x4b: {  	s3 =	rddreg [dreg:$0x2];
	[bflag:$0x3] =	sbarrier.arrive $0xFFFF;
	s2 =	simm.s32 @!p0 $0x1C01  }
0x4c: {  	[timem:s3], [sflag:s2] =	dma.local @!p0 [hbm:s0], s1  }
0x4d: {  	s0 =	simm.s32 @!p0 $0x1  }
0x4e: {  	_ =	swait.ge @!p0 [sflag:s0], s1  }
0x4f: {  	s1 =	ssub.s32 @!p0 $0x0, s1;
	[sflag:s0] =	ssyncset.done @!p0 $0x0  }
0x50: {  	[sflag:s0] =	ssyncadd.s32 @!p0 s1  }
0x51: {  	[bflag:$0x3] =	sbarrier.arrive $0xFFFF  }
0x52: {  	_ =	shalt  }

</sc_bundles>
